<compile_context>
chip_gen: v7x
topology: tpu7x:2x2x1
jax: 0.10.2.dev20260603
libtpu: 0.0.44.dev20260713+nightly
codegen_flags: <defaults>
</compile_context>

<pallas_src>
import functools

import jax
import jax.numpy as jnp
from jax import lax
from jax.experimental import pallas as pl
from jax.experimental.pallas import tpu as pltpu
from jax.experimental.pallas import tpu_sc as plsc

N_NODES = 10000
N_EDGES = 160000
D = 256
DH = 128
NC = 2
NS = 16
CHUNK = 128
CH = 80
NPASS = 2
HC = CH // NPASS
EDGES_PER_TILE = CH * CHUNK
EDGES_PAD = NS * EDGES_PER_TILE
ACC_R = 10112
ROWS_PER_TILE_ZERO = ACC_R // NS
OUT_ROWS_PER_TILE = 632
OUT_R = NS * OUT_ROWS_PER_TILE


def _sc_body(xc_hbm, srci_hbm, dsti_hbm, zeros_hbm, out_hbm,
             acc, src_v, dst_v, gbuf, gsem, ssem):
    c = lax.axis_index("c")
    s = lax.axis_index("s")
    pltpu.sync_copy(zeros_hbm,
                    acc.at[pl.ds(s * ROWS_PER_TILE_ZERO, ROWS_PER_TILE_ZERO)])
    plsc.subcore_barrier()

    def pass_body(p, carry):
        pltpu.sync_copy(srci_hbm.at[c, s, pl.ds(p * HC, HC)], src_v)
        pltpu.sync_copy(dsti_hbm.at[s, pl.ds(p * HC, HC)], dst_v)
        pltpu.async_copy(xc_hbm.at[src_v.at[0]], gbuf.at[0], gsem)

        def body(g, carry2):
            for b in range(2):
                j = 2 * g + b
                @pl.when(j >= 1)
                def _():
                    pltpu.make_async_copy(gbuf.at[1 - b], acc.at[dst_v.at[0]],
                                          ssem).wait()

                @pl.when(j + 1 < HC)
                def _():
                    pltpu.async_copy(xc_hbm.at[src_v.at[j + 1]], gbuf.at[1 - b],
                                     gsem)

                pltpu.make_async_copy(xc_hbm.at[src_v.at[0]], gbuf.at[b],
                                      gsem).wait()
                pltpu.async_copy(gbuf.at[b], acc.at[dst_v.at[j]], ssem, add=True)
            return carry2

        lax.fori_loop(0, HC // 2, body, 0)
        pltpu.make_async_copy(gbuf.at[1], acc.at[dst_v.at[0]], ssem).wait()
        return carry

    lax.fori_loop(0, NPASS, pass_body, 0)
    plsc.subcore_barrier()
    pltpu.sync_copy(acc.at[pl.ds(s * OUT_ROWS_PER_TILE, OUT_ROWS_PER_TILE)],
                    out_hbm.at[c, pl.ds(s * OUT_ROWS_PER_TILE, OUT_ROWS_PER_TILE)])


def _segment_sums(x_cols, src_r, dst_r, zeros):
    mesh = plsc.VectorSubcoreMesh(core_axis_name="c", subcore_axis_name="s")
    return pl.kernel(
        _sc_body,
        out_type=jax.ShapeDtypeStruct((NC, OUT_R, DH), jnp.float32),
        mesh=mesh,
        scratch_types=[
            pltpu.VMEM_SHARED((ACC_R, DH), jnp.float32),
            pltpu.VMEM((HC, CHUNK), jnp.int32),
            pltpu.VMEM((HC, CHUNK), jnp.int32),
            pltpu.VMEM((2, CHUNK, DH), jnp.float32),
            pltpu.SemaphoreType.DMA,
            pltpu.SemaphoreType.DMA,
        ],
    )(x_cols, src_r, dst_r, zeros)


def _tc_body(x_ref, s0_ref, s1_ref, w1_ref, b1_ref, w2_ref, b2_ref,
             g_ref, bt_ref, o_ref):
    sums = jnp.concatenate([s0_ref[...], s1_ref[...]], axis=-1)
    nrm = jnp.sqrt(jnp.sum(sums * sums, axis=-1, keepdims=True))
    agg = sums / (nrm + 1e-8)
    h = x_ref[...] + agg
    h = jnp.maximum(
        jnp.dot(h, w1_ref[...], preferred_element_type=jnp.float32) + b1_ref[...],
        0.0)
    h = jnp.dot(h, w2_ref[...], preferred_element_type=jnp.float32) + b2_ref[...]
    mu = jnp.mean(h, axis=-1, keepdims=True)
    var = jnp.mean((h - mu) * (h - mu), axis=-1, keepdims=True)
    o_ref[...] = (h - mu) / jnp.sqrt(var + 1e-5) * g_ref[...] + bt_ref[...]


def _dense(x, sums, W1, b1, W2, b2, gamma, beta):
    R = 2000
    return pl.pallas_call(
        _tc_body,
        grid=(N_NODES // R,),
        in_specs=[
            pl.BlockSpec((R, D), lambda i: (i, 0)),
            pl.BlockSpec((R, DH), lambda i: (i, 0)),
            pl.BlockSpec((R, DH), lambda i: (i, 0)),
            pl.BlockSpec((D, D), lambda i: (0, 0)),
            pl.BlockSpec((1, D), lambda i: (0, 0)),
            pl.BlockSpec((D, D), lambda i: (0, 0)),
            pl.BlockSpec((1, D), lambda i: (0, 0)),
            pl.BlockSpec((1, D), lambda i: (0, 0)),
            pl.BlockSpec((1, D), lambda i: (0, 0)),
        ],
        out_specs=pl.BlockSpec((R, D), lambda i: (i, 0)),
        out_shape=jax.ShapeDtypeStruct((N_NODES, D), jnp.float32),
    )(x, sums[0], sums[1], W1, b1.reshape(1, D), W2, b2.reshape(1, D),
      gamma.reshape(1, D), beta.reshape(1, D))


@jax.jit
def kernel(x, edge_index, W1, b1, W2, b2, gamma, beta):
    src = edge_index[0]
    dst = edge_index[1]
    npad = EDGES_PAD - N_EDGES
    pad_i = jnp.arange(npad, dtype=jnp.int32)
    src_p = jnp.concatenate([src, (pad_i * 37) % N_NODES])
    dst_p = jnp.concatenate([dst, N_NODES + pad_i % (ACC_R - N_NODES)])
    src_r = jnp.stack([2 * src_p, 2 * src_p + 1]).reshape(NC, NS, CH, CHUNK)
    dst_r = dst_p.reshape(NS, CH, CHUNK)
    x_cols = x.reshape(2 * N_NODES, DH)
    zeros = jnp.zeros((ROWS_PER_TILE_ZERO, DH), jnp.float32)
    sums = _segment_sums(x_cols, src_r, dst_r, zeros)
    return _dense(x, sums, W1, b1, W2, b2, gamma, beta)

# --- scband reference (transcript-rebuilt; emitter-appended) ---
"""Pipeline reference for scband-uhgginlayer-21328807592547 (READ-ONLY COPY).

The authoritative reference and input builder live on the scoring server;
editing this copy changes nothing except your own understanding.
"""

import jax, jax.numpy as jnp
import numpy as np

N = 10000
E = 160000
D_IN = 256
D_OUT = 256
EPS_GIN = 0.0


def setup_inputs(seed: int = 0) -> dict:
    key = jax.random.key(seed)
    ks = jax.random.split(key, 8)
    x = jax.random.normal(ks[0], (N, D_IN), dtype=jnp.float32)
    edge_index = jax.random.randint(ks[1], (2, E), 0, N, dtype=jnp.int32)
    # MLP params: Linear(in,out) -> ReLU -> Linear(out,out)
    W1 = jax.random.normal(ks[2], (D_IN, D_OUT), dtype=jnp.float32) * (1.0 / np.sqrt(D_IN))
    b1 = jnp.zeros((D_OUT,), dtype=jnp.float32)
    W2 = jax.random.normal(ks[3], (D_OUT, D_OUT), dtype=jnp.float32) * (1.0 / np.sqrt(D_OUT))
    b2 = jnp.zeros((D_OUT,), dtype=jnp.float32)
    # UHGLayerNorm affine params
    gamma = jnp.ones((D_OUT,), dtype=jnp.float32)
    beta = jnp.zeros((D_OUT,), dtype=jnp.float32)
    return {"x": x, "edge_index": edge_index, "W1": W1, "b1": b1, "W2": W2, "b2": b2, "gamma": gamma, "beta": beta}


def _aggregate(x, edge_index):
    # Vectorized equivalent of the per-node python loop:
    # for each dst node: uniform weights 1/deg over incoming neighbors,
    # weighted sum, then projective normalization (unit-norm point).
    src = edge_index[0]
    dst = edge_index[1]
    n = x.shape[0]
    ones = jnp.ones(src.shape[0], dtype=x.dtype)
    deg = jax.ops.segment_sum(ones, dst, num_segments=n)
    sums = jax.ops.segment_sum(jnp.take(x, src, axis=0), dst, num_segments=n)
    avg = sums / jnp.maximum(deg, 1.0)[:, None]
    # ProjectiveUHG.projective_average: weighted mean followed by projective
    # (unit-norm) renormalization of the resulting point.
    nrm = jnp.linalg.norm(avg, axis=-1, keepdims=True)
    agg = avg / (nrm + 1e-8)
    # nodes with no incoming edges get an exact zero vector
    agg = jnp.where(deg[:, None] > 0, agg, jnp.zeros_like(agg))
    return agg


def reference(x, edge_index, W1, b1, W2, b2, gamma, beta):
    agg = _aggregate(x, edge_index)
    h = (1.0 + EPS_GIN) * x + agg
    h = jnp.maximum(h @ W1 + b1, 0.0)
    h = h @ W2 + b2
    # UHGLayerNorm: layer normalization with learnable affine params
    mu = jnp.mean(h, axis=-1, keepdims=True)
    var = jnp.var(h, axis=-1, keepdims=True)
    h = (h - mu) / jnp.sqrt(var + 1e-5) * gamma + beta
    # dropout is identity in eval mode
    return h

if __name__ == "__main__":
    import jax
    _d = setup_inputs()
    print(jax.jit(kernel)(*tuple(_d.values())))

</pallas_src>

<mosaic_0001>
#map = affine_map<(d0, d1) -> (0, 0)>
#map1 = affine_map<(d0, d1) -> (0, 0, 0, 0)>
#map2 = affine_map<(d0, d1) -> (0, 0, 0)>
module attributes {stable_mosaic.version = 14 : i64} {
  func.func @_sc_body(%arg0: i32, %arg1: i32, %arg2: memref<20000x128xf32, #tpu.memory_space<hbm>>, %arg3: memref<2x16x80x128xi32, #tpu.memory_space<hbm>>, %arg4: memref<16x80x128xi32, #tpu.memory_space<hbm>>, %arg5: memref<632x128xf32, #tpu.memory_space<hbm>>, %arg6: memref<2x10112x128xf32, #tpu.memory_space<hbm>>, %arg7: memref<10112x128xf32, #tpu.memory_space<vmem_shared>>, %arg8: memref<40x128xi32, #tpu.memory_space<vmem>>, %arg9: memref<40x128xi32, #tpu.memory_space<vmem>>, %arg10: memref<2x128x128xf32, #tpu.memory_space<vmem>>, %arg11: memref<!tpu.dma_semaphore, #tpu.memory_space<semaphore_mem>>, %arg12: memref<!tpu.dma_semaphore, #tpu.memory_space<semaphore_mem>>) attributes {dimension_semantics = [#tpu.dimension_semantics<core_parallel>, #tpu.dimension_semantics<subcore_parallel>], iteration_bounds = array<i64: 2, 16>, scalar_prefetch = 0 : i64, scratch_operands = 6 : i64, tpu.core_type = #tpu.core_type<sc_vector_subcore>, window_params = [{transform_indices = #map}, {transform_indices = #map1}, {transform_indices = #map2}, {transform_indices = #map}, {transform_indices = #map2}]} {
    %mul3A = arith.constant 632 : i32
    %mul3A_0 = arith.muli %arg1, %mul3A : i32
    "tpu.region"() ({
      %run_scoped3A = tpu.sem_alloc : memref<!tpu.dma_semaphore, #tpu.memory_space<semaphore_mem>>
      %dma_start3A = arith.constant 0 : i32
      %dma_start3A_11 = tpu.memref_slice %arg7[%mul3A_0, %dma_start3A] : memref<10112x128xf32, #tpu.memory_space<vmem_shared>> -> memref<632x128xf32, #tpu.memory_space<vmem_shared>>
      tpu.enqueue_dma source(%arg5 : memref<632x128xf32, #tpu.memory_space<hbm>>) target(%dma_start3A_11 : memref<632x128xf32, #tpu.memory_space<vmem_shared>>) target_semaphore(%run_scoped3A : memref<!tpu.dma_semaphore, #tpu.memory_space<semaphore_mem>>)
      %dma_wait3A = arith.constant 0 : i32
      %dma_wait3A_12 = tpu.memref_slice %arg7[%mul3A_0, %dma_wait3A] : memref<10112x128xf32, #tpu.memory_space<vmem_shared>> -> memref<632x128xf32, #tpu.memory_space<vmem_shared>>
      tpu.wait_dma2 semaphore(%run_scoped3A : memref<!tpu.dma_semaphore, #tpu.memory_space<semaphore_mem>>) src(%arg5 : memref<632x128xf32, #tpu.memory_space<hbm>>) dst(%dma_wait3A_12 : memref<632x128xf32, #tpu.memory_space<vmem_shared>>)
      tpu.yield
    }) : () -> ()
    %barrier3A = arith.constant 0 : index
    tpu.barrier barrier_id(%barrier3A)
    %scan3A = arith.constant 0 : i32
    %scan3A_1 = arith.constant 0 : i32
    %scan3A_2 = arith.constant 2 : i32
    %scan3A_3 = arith.addi %scan3A_1, %scan3A_2 : i32
    %scan3A_4 = arith.constant 1 : i32
    scf.for %scan3A_11 = %scan3A_1 to %scan3A_3 step %scan3A_4  : i32 {
      %mul3A_12 = arith.constant 40 : i32
      %mul3A_13 = arith.muli %scan3A_11, %mul3A_12 : i32
      "tpu.region"() ({
        %run_scoped3A = tpu.sem_alloc : memref<!tpu.dma_semaphore, #tpu.memory_space<semaphore_mem>>
        %dma_start3A_44 = arith.constant 0 : i32
        %dma_start3A_45 = tpu.memref_slice %arg3[%arg0, %arg1, %mul3A_13, %dma_start3A_44] : memref<2x16x80x128xi32, #tpu.memory_space<hbm>> -> memref<1x1x40x128xi32, #tpu.memory_space<hbm>>
        %dma_start3A_46 = tpu.memref_squeeze %dma_start3A_45 : memref<1x1x40x128xi32, #tpu.memory_space<hbm>> -> memref<40x128xi32, #tpu.memory_space<hbm>>
        %dma_start3A_47 = arith.constant 0 : i32
        %dma_start3A_48 = tpu.memref_slice %arg3[%arg0, %arg1, %mul3A_13, %dma_start3A_47] : memref<2x16x80x128xi32, #tpu.memory_space<hbm>> -> memref<1x1x40x128xi32, #tpu.memory_space<hbm>>
        %dma_start3A_49 = tpu.memref_squeeze %dma_start3A_48 : memref<1x1x40x128xi32, #tpu.memory_space<hbm>> -> memref<40x128xi32, #tpu.memory_space<hbm>>
        tpu.enqueue_dma source(%dma_start3A_49 : memref<40x128xi32, #tpu.memory_space<hbm>>) target(%arg8 : memref<40x128xi32, #tpu.memory_space<vmem>>) target_semaphore(%run_scoped3A : memref<!tpu.dma_semaphore, #tpu.memory_space<semaphore_mem>>)
        %dma_wait3A_50 = arith.constant 0 : i32
        %dma_wait3A_51 = tpu.memref_slice %arg3[%arg0, %arg1, %mul3A_13, %dma_wait3A_50] : memref<2x16x80x128xi32, #tpu.memory_space<hbm>> -> memref<1x1x40x128xi32, #tpu.memory_space<hbm>>
        %dma_wait3A_52 = tpu.memref_squeeze %dma_wait3A_51 : memref<1x1x40x128xi32, #tpu.memory_space<hbm>> -> memref<40x128xi32, #tpu.memory_space<hbm>>
        %dma_wait3A_53 = arith.constant 0 : i32
        %dma_wait3A_54 = tpu.memref_slice %arg3[%arg0, %arg1, %mul3A_13, %dma_wait3A_53] : memref<2x16x80x128xi32, #tpu.memory_space<hbm>> -> memref<1x1x40x128xi32, #tpu.memory_space<hbm>>
        %dma_wait3A_55 = tpu.memref_squeeze %dma_wait3A_54 : memref<1x1x40x128xi32, #tpu.memory_space<hbm>> -> memref<40x128xi32, #tpu.memory_space<hbm>>
        tpu.wait_dma2 semaphore(%run_scoped3A : memref<!tpu.dma_semaphore, #tpu.memory_space<semaphore_mem>>) src(%dma_wait3A_55 : memref<40x128xi32, #tpu.memory_space<hbm>>) dst(%arg8 : memref<40x128xi32, #tpu.memory_space<vmem>>)
        tpu.yield
      }) : () -> ()
      %mul3A_14 = arith.constant 40 : i32
      %mul3A_15 = arith.muli %scan3A_11, %mul3A_14 : i32
      "tpu.region"() ({
        %run_scoped3A = tpu.sem_alloc : memref<!tpu.dma_semaphore, #tpu.memory_space<semaphore_mem>>
        %dma_start3A_44 = arith.constant 0 : i32
        %dma_start3A_45 = tpu.memref_slice %arg4[%arg1, %mul3A_15, %dma_start3A_44] : memref<16x80x128xi32, #tpu.memory_space<hbm>> -> memref<1x40x128xi32, #tpu.memory_space<hbm>>
        %dma_start3A_46 = tpu.memref_squeeze %dma_start3A_45 : memref<1x40x128xi32, #tpu.memory_space<hbm>> -> memref<40x128xi32, #tpu.memory_space<hbm>>
        %dma_start3A_47 = arith.constant 0 : i32
        %dma_start3A_48 = tpu.memref_slice %arg4[%arg1, %mul3A_15, %dma_start3A_47] : memref<16x80x128xi32, #tpu.memory_space<hbm>> -> memref<1x40x128xi32, #tpu.memory_space<hbm>>
        %dma_start3A_49 = tpu.memref_squeeze %dma_start3A_48 : memref<1x40x128xi32, #tpu.memory_space<hbm>> -> memref<40x128xi32, #tpu.memory_space<hbm>>
        tpu.enqueue_dma source(%dma_start3A_49 : memref<40x128xi32, #tpu.memory_space<hbm>>) target(%arg9 : memref<40x128xi32, #tpu.memory_space<vmem>>) target_semaphore(%run_scoped3A : memref<!tpu.dma_semaphore, #tpu.memory_space<semaphore_mem>>)
        %dma_wait3A_50 = arith.constant 0 : i32
        %dma_wait3A_51 = tpu.memref_slice %arg4[%arg1, %mul3A_15, %dma_wait3A_50] : memref<16x80x128xi32, #tpu.memory_space<hbm>> -> memref<1x40x128xi32, #tpu.memory_space<hbm>>
        %dma_wait3A_52 = tpu.memref_squeeze %dma_wait3A_51 : memref<1x40x128xi32, #tpu.memory_space<hbm>> -> memref<40x128xi32, #tpu.memory_space<hbm>>
        %dma_wait3A_53 = arith.constant 0 : i32
        %dma_wait3A_54 = tpu.memref_slice %arg4[%arg1, %mul3A_15, %dma_wait3A_53] : memref<16x80x128xi32, #tpu.memory_space<hbm>> -> memref<1x40x128xi32, #tpu.memory_space<hbm>>
        %dma_wait3A_55 = tpu.memref_squeeze %dma_wait3A_54 : memref<1x40x128xi32, #tpu.memory_space<hbm>> -> memref<40x128xi32, #tpu.memory_space<hbm>>
        tpu.wait_dma2 semaphore(%run_scoped3A : memref<!tpu.dma_semaphore, #tpu.memory_space<semaphore_mem>>) src(%dma_wait3A_55 : memref<40x128xi32, #tpu.memory_space<hbm>>) dst(%arg9 : memref<40x128xi32, #tpu.memory_space<vmem>>)
        tpu.yield
      }) : () -> ()
      %dma_start3A = arith.constant 0 : i32
      %dma_start3A_16 = arith.constant 0 : i32
      %dma_start3A_17 = arith.constant 0 : i32
      %dma_start3A_18 = arith.constant 0 : i32
      %dma_start3A_19 = tpu.memref_slice %arg10[%dma_start3A_16, %dma_start3A_17, %dma_start3A_18] : memref<2x128x128xf32, #tpu.memory_space<vmem>> -> memref<1x128x128xf32, #tpu.memory_space<vmem>>
      %dma_start3A_20 = tpu.memref_squeeze %dma_start3A_19 : memref<1x128x128xf32, #tpu.memory_space<vmem>> -> memref<128x128xf32, #tpu.memory_space<vmem>>
      %dma_start3A_21 = arith.constant 0 : i32
      %dma_start3A_22 = tpu.memref_slice %arg8[%dma_start3A, %dma_start3A_21] : memref<40x128xi32, #tpu.memory_space<vmem>> -> memref<1x128xi32, #tpu.memory_space<vmem>>
      %dma_start3A_23 = tpu.memref_squeeze %dma_start3A_22 : memref<1x128xi32, #tpu.memory_space<vmem>> -> memref<128xi32, #tpu.memory_space<vmem>>
      %dma_start3A_24 = arith.constant 0 : i32
      %dma_start3A_25 = arith.constant 0 : i32
      %dma_start3A_26 = tpu.memref_slice %arg2[%dma_start3A_24, %dma_start3A_25] : memref<20000x128xf32, #tpu.memory_space<hbm>> -> memref<20000x128xf32, #tpu.memory_space<hbm>>
      tpu.enqueue_indirect_dma source(%dma_start3A_26 : memref<20000x128xf32, #tpu.memory_space<hbm>>) target(%dma_start3A_20 : memref<128x128xf32, #tpu.memory_space<vmem>>) offsets(%dma_start3A_23 : memref<128xi32, #tpu.memory_space<vmem>>) semaphore(%arg11 : memref<!tpu.dma_semaphore, #tpu.memory_space<semaphore_mem>>)
      %scan3A_27 = arith.constant 0 : i32
      %scan3A_28 = arith.constant 0 : i32
      %scan3A_29 = arith.constant 20 : i32
      %scan3A_30 = arith.addi %scan3A_28, %scan3A_29 : i32
      %scan3A_31 = arith.constant 1 : i32
      scf.for %scan3A_44 = %scan3A_28 to %scan3A_30 step %scan3A_31  : i32 {
        %mul3A_45 = arith.constant 2 : i32
        %mul3A_46 = arith.muli %mul3A_45, %scan3A_44 : i32
        %add3A = arith.constant 0 : i32
        %add3A_47 = arith.addi %mul3A_46, %add3A : i32
        %ge3A = arith.constant 1 : i32
        %ge3A_48 = arith.cmpi sge, %add3A_47, %ge3A : i32
        %convert_element_type3A = arith.extui %ge3A_48 : i1 to i32
        %cond3A = arith.constant 0 : i32
        %cond3A_49 = arith.cmpi ne, %convert_element_type3A, %cond3A : i32
        scf.if %cond3A_49 {
          %dma_wait3A_118 = arith.constant 1 : i32
          %dma_wait3A_119 = arith.constant 0 : i32
          %dma_wait3A_120 = arith.constant 0 : i32
          %dma_wait3A_121 = arith.constant 0 : i32
          %dma_wait3A_122 = tpu.memref_slice %arg10[%dma_wait3A_118, %dma_wait3A_120, %dma_wait3A_121] : memref<2x128x128xf32, #tpu.memory_space<vmem>> -> memref<1x128x128xf32, #tpu.memory_space<vmem>>
          %dma_wait3A_123 = tpu.memref_squeeze %dma_wait3A_122 : memref<1x128x128xf32, #tpu.memory_space<vmem>> -> memref<128x128xf32, #tpu.memory_space<vmem>>
          %dma_wait3A_124 = arith.constant 0 : i32
          %dma_wait3A_125 = tpu.memref_slice %arg9[%dma_wait3A_119, %dma_wait3A_124] : memref<40x128xi32, #tpu.memory_space<vmem>> -> memref<1x128xi32, #tpu.memory_space<vmem>>
          %dma_wait3A_126 = tpu.memref_squeeze %dma_wait3A_125 : memref<1x128xi32, #tpu.memory_space<vmem>> -> memref<128xi32, #tpu.memory_space<vmem>>
          %dma_wait3A_127 = arith.constant 0 : i32
          %dma_wait3A_128 = arith.constant 0 : i32
          %dma_wait3A_129 = tpu.memref_slice %arg7[%dma_wait3A_127, %dma_wait3A_128] : memref<10112x128xf32, #tpu.memory_space<vmem_shared>> -> memref<10112x128xf32, #tpu.memory_space<vmem_shared>>
          tpu.wait_indirect_dma semaphore(%arg12 : memref<!tpu.dma_semaphore, #tpu.memory_space<semaphore_mem>>) src(%dma_wait3A_123 : memref<128x128xf32, #tpu.memory_space<vmem>>) dst(%dma_wait3A_129 : memref<10112x128xf32, #tpu.memory_space<vmem_shared>>)
        } else {
        }
        %add3A_50 = arith.constant 1 : i32
        %add3A_51 = arith.addi %add3A_47, %add3A_50 : i32
        %lt3A = arith.constant 40 : i32
        %lt3A_52 = arith.cmpi slt, %add3A_51, %lt3A : i32
        %convert_element_type3A_53 = arith.extui %lt3A_52 : i1 to i32
        %cond3A_54 = arith.constant 0 : i32
        %cond3A_55 = arith.cmpi ne, %convert_element_type3A_53, %cond3A_54 : i32
        scf.if %cond3A_55 {
          %add3A_118 = arith.constant 1 : i32
          %add3A_119 = arith.addi %add3A_47, %add3A_118 : i32
          %dma_start3A_120 = arith.constant 1 : i32
          %dma_start3A_121 = arith.constant 0 : i32
          %dma_start3A_122 = arith.constant 0 : i32
          %dma_start3A_123 = tpu.memref_slice %arg10[%dma_start3A_120, %dma_start3A_121, %dma_start3A_122] : memref<2x128x128xf32, #tpu.memory_space<vmem>> -> memref<1x128x128xf32, #tpu.memory_space<vmem>>
          %dma_start3A_124 = tpu.memref_squeeze %dma_start3A_123 : memref<1x128x128xf32, #tpu.memory_space<vmem>> -> memref<128x128xf32, #tpu.memory_space<vmem>>
          %dma_start3A_125 = arith.constant 0 : i32
          %dma_start3A_126 = tpu.memref_slice %arg8[%add3A_119, %dma_start3A_125] : memref<40x128xi32, #tpu.memory_space<vmem>> -> memref<1x128xi32, #tpu.memory_space<vmem>>
          %dma_start3A_127 = tpu.memref_squeeze %dma_start3A_126 : memref<1x128xi32, #tpu.memory_space<vmem>> -> memref<128xi32, #tpu.memory_space<vmem>>
          %dma_start3A_128 = arith.constant 0 : i32
          %dma_start3A_129 = arith.constant 0 : i32
          %dma_start3A_130 = tpu.memref_slice %arg2[%dma_start3A_128, %dma_start3A_129] : memref<20000x128xf32, #tpu.memory_space<hbm>> -> memref<20000x128xf32, #tpu.memory_space<hbm>>
          tpu.enqueue_indirect_dma source(%dma_start3A_130 : memref<20000x128xf32, #tpu.memory_space<hbm>>) target(%dma_start3A_124 : memref<128x128xf32, #tpu.memory_space<vmem>>) offsets(%dma_start3A_127 : memref<128xi32, #tpu.memory_space<vmem>>) semaphore(%arg11 : memref<!tpu.dma_semaphore, #tpu.memory_space<semaphore_mem>>)
        } else {
        }
        %dma_wait3A_56 = arith.constant 0 : i32
        %dma_wait3A_57 = arith.constant 0 : i32
        %dma_wait3A_58 = arith.constant 0 : i32
        %dma_wait3A_59 = arith.constant 0 : i32
        %dma_wait3A_60 = tpu.memref_slice %arg10[%dma_wait3A_57, %dma_wait3A_58, %dma_wait3A_59] : memref<2x128x128xf32, #tpu.memory_space<vmem>> -> memref<1x128x128xf32, #tpu.memory_space<vmem>>
        %dma_wait3A_61 = tpu.memref_squeeze %dma_wait3A_60 : memref<1x128x128xf32, #tpu.memory_space<vmem>> -> memref<128x128xf32, #tpu.memory_space<vmem>>
        %dma_wait3A_62 = arith.constant 0 : i32
        %dma_wait3A_63 = tpu.memref_slice %arg8[%dma_wait3A_56, %dma_wait3A_62] : memref<40x128xi32, #tpu.memory_space<vmem>> -> memref<1x128xi32, #tpu.memory_space<vmem>>
        %dma_wait3A_64 = tpu.memref_squeeze %dma_wait3A_63 : memref<1x128xi32, #tpu.memory_space<vmem>> -> memref<128xi32, #tpu.memory_space<vmem>>
        %dma_wait3A_65 = arith.constant 0 : i32
        %dma_wait3A_66 = arith.constant 0 : i32
        %dma_wait3A_67 = tpu.memref_slice %arg2[%dma_wait3A_65, %dma_wait3A_66] : memref<20000x128xf32, #tpu.memory_space<hbm>> -> memref<20000x128xf32, #tpu.memory_space<hbm>>
        tpu.wait_indirect_dma semaphore(%arg11 : memref<!tpu.dma_semaphore, #tpu.memory_space<semaphore_mem>>) src(%dma_wait3A_67 : memref<20000x128xf32, #tpu.memory_space<hbm>>) dst(%dma_wait3A_61 : memref<128x128xf32, #tpu.memory_space<vmem>>)
        %dma_start3A_68 = arith.constant 0 : i32
        %dma_start3A_69 = arith.constant 0 : i32
        %dma_start3A_70 = arith.constant 0 : i32
        %dma_start3A_71 = tpu.memref_slice %arg10[%dma_start3A_68, %dma_start3A_69, %dma_start3A_70] : memref<2x128x128xf32, #tpu.memory_space<vmem>> -> memref<1x128x128xf32, #tpu.memory_space<vmem>>
        %dma_start3A_72 = tpu.memref_squeeze %dma_start3A_71 : memref<1x128x128xf32, #tpu.memory_space<vmem>> -> memref<128x128xf32, #tpu.memory_space<vmem>>
        %dma_start3A_73 = arith.constant 0 : i32
        %dma_start3A_74 = tpu.memref_slice %arg9[%add3A_47, %dma_start3A_73] : memref<40x128xi32, #tpu.memory_space<vmem>> -> memref<1x128xi32, #tpu.memory_space<vmem>>
        %dma_start3A_75 = tpu.memref_squeeze %dma_start3A_74 : memref<1x128xi32, #tpu.memory_space<vmem>> -> memref<128xi32, #tpu.memory_space<vmem>>
        %dma_start3A_76 = arith.constant 0 : i32
        %dma_start3A_77 = arith.constant 0 : i32
        %dma_start3A_78 = tpu.memref_slice %arg7[%dma_start3A_76, %dma_start3A_77] : memref<10112x128xf32, #tpu.memory_space<vmem_shared>> -> memref<10112x128xf32, #tpu.memory_space<vmem_shared>>
        tpu.enqueue_indirect_dma source(%dma_start3A_72 : memref<128x128xf32, #tpu.memory_space<vmem>>) target(%dma_start3A_78 : memref<10112x128xf32, #tpu.memory_space<vmem_shared>>) offsets(%dma_start3A_75 : memref<128xi32, #tpu.memory_space<vmem>>) semaphore(%arg12 : memref<!tpu.dma_semaphore, #tpu.memory_space<semaphore_mem>>) {add = true}
        %mul3A_79 = arith.constant 2 : i32
        %mul3A_80 = arith.muli %mul3A_79, %scan3A_44 : i32
        %add3A_81 = arith.constant 1 : i32
        %add3A_82 = arith.addi %mul3A_80, %add3A_81 : i32
        %ge3A_83 = arith.constant 1 : i32
        %ge3A_84 = arith.cmpi sge, %add3A_82, %ge3A_83 : i32
        %convert_element_type3A_85 = arith.extui %ge3A_84 : i1 to i32
        %cond3A_86 = arith.constant 0 : i32
        %cond3A_87 = arith.cmpi ne, %convert_element_type3A_85, %cond3A_86 : i32
        scf.if %cond3A_87 {
          %dma_wait3A_118 = arith.constant 0 : i32
          %dma_wait3A_119 = arith.constant 0 : i32
          %dma_wait3A_120 = arith.constant 0 : i32
          %dma_wait3A_121 = arith.constant 0 : i32
          %dma_wait3A_122 = tpu.memref_slice %arg10[%dma_wait3A_118, %dma_wait3A_120, %dma_wait3A_121] : memref<2x128x128xf32, #tpu.memory_space<vmem>> -> memref<1x128x128xf32, #tpu.memory_space<vmem>>
          %dma_wait3A_123 = tpu.memref_squeeze %dma_wait3A_122 : memref<1x128x128xf32, #tpu.memory_space<vmem>> -> memref<128x128xf32, #tpu.memory_space<vmem>>
          %dma_wait3A_124 = arith.constant 0 : i32
          %dma_wait3A_125 = tpu.memref_slice %arg9[%dma_wait3A_119, %dma_wait3A_124] : memref<40x128xi32, #tpu.memory_space<vmem>> -> memref<1x128xi32, #tpu.memory_space<vmem>>
          %dma_wait3A_126 = tpu.memref_squeeze %dma_wait3A_125 : memref<1x128xi32, #tpu.memory_space<vmem>> -> memref<128xi32, #tpu.memory_space<vmem>>
          %dma_wait3A_127 = arith.constant 0 : i32
          %dma_wait3A_128 = arith.constant 0 : i32
          %dma_wait3A_129 = tpu.memref_slice %arg7[%dma_wait3A_127, %dma_wait3A_128] : memref<10112x128xf32, #tpu.memory_space<vmem_shared>> -> memref<10112x128xf32, #tpu.memory_space<vmem_shared>>
          tpu.wait_indirect_dma semaphore(%arg12 : memref<!tpu.dma_semaphore, #tpu.memory_space<semaphore_mem>>) src(%dma_wait3A_123 : memref<128x128xf32, #tpu.memory_space<vmem>>) dst(%dma_wait3A_129 : memref<10112x128xf32, #tpu.memory_space<vmem_shared>>)
        } else {
        }
        %add3A_88 = arith.constant 1 : i32
        %add3A_89 = arith.addi %add3A_82, %add3A_88 : i32
        %lt3A_90 = arith.constant 40 : i32
        %lt3A_91 = arith.cmpi slt, %add3A_89, %lt3A_90 : i32
        %convert_element_type3A_92 = arith.extui %lt3A_91 : i1 to i32
        %cond3A_93 = arith.constant 0 : i32
        %cond3A_94 = arith.cmpi ne, %convert_element_type3A_92, %cond3A_93 : i32
        scf.if %cond3A_94 {
          %add3A_118 = arith.constant 1 : i32
          %add3A_119 = arith.addi %add3A_82, %add3A_118 : i32
          %dma_start3A_120 = arith.constant 0 : i32
          %dma_start3A_121 = arith.constant 0 : i32
          %dma_start3A_122 = arith.constant 0 : i32
          %dma_start3A_123 = tpu.memref_slice %arg10[%dma_start3A_120, %dma_start3A_121, %dma_start3A_122] : memref<2x128x128xf32, #tpu.memory_space<vmem>> -> memref<1x128x128xf32, #tpu.memory_space<vmem>>
          %dma_start3A_124 = tpu.memref_squeeze %dma_start3A_123 : memref<1x128x128xf32, #tpu.memory_space<vmem>> -> memref<128x128xf32, #tpu.memory_space<vmem>>
          %dma_start3A_125 = arith.constant 0 : i32
          %dma_start3A_126 = tpu.memref_slice %arg8[%add3A_119, %dma_start3A_125] : memref<40x128xi32, #tpu.memory_space<vmem>> -> memref<1x128xi32, #tpu.memory_space<vmem>>
          %dma_start3A_127 = tpu.memref_squeeze %dma_start3A_126 : memref<1x128xi32, #tpu.memory_space<vmem>> -> memref<128xi32, #tpu.memory_space<vmem>>
          %dma_start3A_128 = arith.constant 0 : i32
          %dma_start3A_129 = arith.constant 0 : i32
          %dma_start3A_130 = tpu.memref_slice %arg2[%dma_start3A_128, %dma_start3A_129] : memref<20000x128xf32, #tpu.memory_space<hbm>> -> memref<20000x128xf32, #tpu.memory_space<hbm>>
          tpu.enqueue_indirect_dma source(%dma_start3A_130 : memref<20000x128xf32, #tpu.memory_space<hbm>>) target(%dma_start3A_124 : memref<128x128xf32, #tpu.memory_space<vmem>>) offsets(%dma_start3A_127 : memref<128xi32, #tpu.memory_space<vmem>>) semaphore(%arg11 : memref<!tpu.dma_semaphore, #tpu.memory_space<semaphore_mem>>)
        } else {
        }
        %dma_wait3A_95 = arith.constant 0 : i32
        %dma_wait3A_96 = arith.constant 1 : i32
        %dma_wait3A_97 = arith.constant 0 : i32
        %dma_wait3A_98 = arith.constant 0 : i32
        %dma_wait3A_99 = tpu.memref_slice %arg10[%dma_wait3A_96, %dma_wait3A_97, %dma_wait3A_98] : memref<2x128x128xf32, #tpu.memory_space<vmem>> -> memref<1x128x128xf32, #tpu.memory_space<vmem>>
        %dma_wait3A_100 = tpu.memref_squeeze %dma_wait3A_99 : memref<1x128x128xf32, #tpu.memory_space<vmem>> -> memref<128x128xf32, #tpu.memory_space<vmem>>
        %dma_wait3A_101 = arith.constant 0 : i32
        %dma_wait3A_102 = tpu.memref_slice %arg8[%dma_wait3A_95, %dma_wait3A_101] : memref<40x128xi32, #tpu.memory_space<vmem>> -> memref<1x128xi32, #tpu.memory_space<vmem>>
        %dma_wait3A_103 = tpu.memref_squeeze %dma_wait3A_102 : memref<1x128xi32, #tpu.memory_space<vmem>> -> memref<128xi32, #tpu.memory_space<vmem>>
        %dma_wait3A_104 = arith.constant 0 : i32
        %dma_wait3A_105 = arith.constant 0 : i32
        %dma_wait3A_106 = tpu.memref_slice %arg2[%dma_wait3A_104, %dma_wait3A_105] : memref<20000x128xf32, #tpu.memory_space<hbm>> -> memref<20000x128xf32, #tpu.memory_space<hbm>>
        tpu.wait_indirect_dma semaphore(%arg11 : memref<!tpu.dma_semaphore, #tpu.memory_space<semaphore_mem>>) src(%dma_wait3A_106 : memref<20000x128xf32, #tpu.memory_space<hbm>>) dst(%dma_wait3A_100 : memref<128x128xf32, #tpu.memory_space<vmem>>)
        %dma_start3A_107 = arith.constant 1 : i32
        %dma_start3A_108 = arith.constant 0 : i32
        %dma_start3A_109 = arith.constant 0 : i32
        %dma_start3A_110 = tpu.memref_slice %arg10[%dma_start3A_107, %dma_start3A_108, %dma_start3A_109] : memref<2x128x128xf32, #tpu.memory_space<vmem>> -> memref<1x128x128xf32, #tpu.memory_space<vmem>>
        %dma_start3A_111 = tpu.memref_squeeze %dma_start3A_110 : memref<1x128x128xf32, #tpu.memory_space<vmem>> -> memref<128x128xf32, #tpu.memory_space<vmem>>
        %dma_start3A_112 = arith.constant 0 : i32
        %dma_start3A_113 = tpu.memref_slice %arg9[%add3A_82, %dma_start3A_112] : memref<40x128xi32, #tpu.memory_space<vmem>> -> memref<1x128xi32, #tpu.memory_space<vmem>>
        %dma_start3A_114 = tpu.memref_squeeze %dma_start3A_113 : memref<1x128xi32, #tpu.memory_space<vmem>> -> memref<128xi32, #tpu.memory_space<vmem>>
        %dma_start3A_115 = arith.constant 0 : i32
        %dma_start3A_116 = arith.constant 0 : i32
        %dma_start3A_117 = tpu.memref_slice %arg7[%dma_start3A_115, %dma_start3A_116] : memref<10112x128xf32, #tpu.memory_space<vmem_shared>> -> memref<10112x128xf32, #tpu.memory_space<vmem_shared>>
        tpu.enqueue_indirect_dma source(%dma_start3A_111 : memref<128x128xf32, #tpu.memory_space<vmem>>) target(%dma_start3A_117 : memref<10112x128xf32, #tpu.memory_space<vmem_shared>>) offsets(%dma_start3A_114 : memref<128xi32, #tpu.memory_space<vmem>>) semaphore(%arg12 : memref<!tpu.dma_semaphore, #tpu.memory_space<semaphore_mem>>) {add = true}
      }
      %scan3A_32 = arith.constant 20 : i32
      %dma_wait3A = arith.constant 1 : i32
      %dma_wait3A_33 = arith.constant 0 : i32
      %dma_wait3A_34 = arith.constant 0 : i32
      %dma_wait3A_35 = arith.constant 0 : i32
      %dma_wait3A_36 = tpu.memref_slice %arg10[%dma_wait3A, %dma_wait3A_34, %dma_wait3A_35] : memref<2x128x128xf32, #tpu.memory_space<vmem>> -> memref<1x128x128xf32, #tpu.memory_space<vmem>>
      %dma_wait3A_37 = tpu.memref_squeeze %dma_wait3A_36 : memref<1x128x128xf32, #tpu.memory_space<vmem>> -> memref<128x128xf32, #tpu.memory_space<vmem>>
      %dma_wait3A_38 = arith.constant 0 : i32
      %dma_wait3A_39 = tpu.memref_slice %arg9[%dma_wait3A_33, %dma_wait3A_38] : memref<40x128xi32, #tpu.memory_space<vmem>> -> memref<1x128xi32, #tpu.memory_space<vmem>>
      %dma_wait3A_40 = tpu.memref_squeeze %dma_wait3A_39 : memref<1x128xi32, #tpu.memory_space<vmem>> -> memref<128xi32, #tpu.memory_space<vmem>>
      %dma_wait3A_41 = arith.constant 0 : i32
      %dma_wait3A_42 = arith.constant 0 : i32
      %dma_wait3A_43 = tpu.memref_slice %arg7[%dma_wait3A_41, %dma_wait3A_42] : memref<10112x128xf32, #tpu.memory_space<vmem_shared>> -> memref<10112x128xf32, #tpu.memory_space<vmem_shared>>
      tpu.wait_indirect_dma semaphore(%arg12 : memref<!tpu.dma_semaphore, #tpu.memory_space<semaphore_mem>>) src(%dma_wait3A_37 : memref<128x128xf32, #tpu.memory_space<vmem>>) dst(%dma_wait3A_43 : memref<10112x128xf32, #tpu.memory_space<vmem_shared>>)
    }
    %scan3A_5 = arith.constant 2 : i32
    %barrier3A_6 = arith.constant 0 : index
    tpu.barrier barrier_id(%barrier3A_6)
    %mul3A_7 = arith.constant 632 : i32
    %mul3A_8 = arith.muli %arg1, %mul3A_7 : i32
    %mul3A_9 = arith.constant 632 : i32
    %mul3A_10 = arith.muli %arg1, %mul3A_9 : i32
    "tpu.region"() ({
      %run_scoped3A = tpu.sem_alloc : memref<!tpu.dma_semaphore, #tpu.memory_space<semaphore_mem>>
      %dma_start3A = arith.constant 0 : i32
      %dma_start3A_11 = tpu.memref_slice %arg6[%arg0, %mul3A_10, %dma_start3A] : memref<2x10112x128xf32, #tpu.memory_space<hbm>> -> memref<1x632x128xf32, #tpu.memory_space<hbm>>
      %dma_start3A_12 = tpu.memref_squeeze %dma_start3A_11 : memref<1x632x128xf32, #tpu.memory_space<hbm>> -> memref<632x128xf32, #tpu.memory_space<hbm>>
      %dma_start3A_13 = arith.constant 0 : i32
      %dma_start3A_14 = tpu.memref_slice %arg7[%mul3A_8, %dma_start3A_13] : memref<10112x128xf32, #tpu.memory_space<vmem_shared>> -> memref<632x128xf32, #tpu.memory_space<vmem_shared>>
      tpu.enqueue_dma source(%dma_start3A_14 : memref<632x128xf32, #tpu.memory_space<vmem_shared>>) target(%dma_start3A_12 : memref<632x128xf32, #tpu.memory_space<hbm>>) target_semaphore(%run_scoped3A : memref<!tpu.dma_semaphore, #tpu.memory_space<semaphore_mem>>)
      %dma_wait3A = arith.constant 0 : i32
      %dma_wait3A_15 = tpu.memref_slice %arg6[%arg0, %mul3A_10, %dma_wait3A] : memref<2x10112x128xf32, #tpu.memory_space<hbm>> -> memref<1x632x128xf32, #tpu.memory_space<hbm>>
      %dma_wait3A_16 = tpu.memref_squeeze %dma_wait3A_15 : memref<1x632x128xf32, #tpu.memory_space<hbm>> -> memref<632x128xf32, #tpu.memory_space<hbm>>
      %dma_wait3A_17 = arith.constant 0 : i32
      %dma_wait3A_18 = tpu.memref_slice %arg7[%mul3A_8, %dma_wait3A_17] : memref<10112x128xf32, #tpu.memory_space<vmem_shared>> -> memref<632x128xf32, #tpu.memory_space<vmem_shared>>
      tpu.wait_dma2 semaphore(%run_scoped3A : memref<!tpu.dma_semaphore, #tpu.memory_space<semaphore_mem>>) src(%dma_wait3A_18 : memref<632x128xf32, #tpu.memory_space<vmem_shared>>) dst(%dma_wait3A_16 : memref<632x128xf32, #tpu.memory_space<hbm>>)
      tpu.yield
    }) : () -> ()
    return
  }
}

module attributes {stable_mosaic.version = 14 : i64} {
  func.func @_tc_body(%arg0: i32, %arg1: memref<2000x256xf32, #tpu.memory_space<vmem>>, %arg2: memref<2000x128xf32, #tpu.memory_space<vmem>>, %arg3: memref<2000x128xf32, #tpu.memory_space<vmem>>, %arg4: memref<256x256xf32, #tpu.memory_space<vmem>>, %arg5: memref<1x256xf32, #tpu.memory_space<vmem>>, %arg6: memref<256x256xf32, #tpu.memory_space<vmem>>, %arg7: memref<1x256xf32, #tpu.memory_space<vmem>>, %arg8: memref<1x256xf32, #tpu.memory_space<vmem>>, %arg9: memref<1x256xf32, #tpu.memory_space<vmem>>, %arg10: memref<2000x256xf32, #tpu.memory_space<vmem>>) attributes {dimension_semantics = [#tpu.dimension_semantics<arbitrary>], iteration_bounds = array<i64: 5>, scalar_prefetch = 0 : i64, scratch_operands = 0 : i64, tpu.core_type = #tpu.core_type<tc>, window_params = [{transform_indices = @transform_0, window_bounds = array<i64: 2000, 256>}, {transform_indices = @transform_1, window_bounds = array<i64: 2000, 128>}, {transform_indices = @transform_2, window_bounds = array<i64: 2000, 128>}, {pipeline_mode = #tpu.pipeline_mode<synchronous>, transform_indices = @transform_3, window_bounds = array<i64: 256, 256>}, {pipeline_mode = #tpu.pipeline_mode<synchronous>, transform_indices = @transform_4, window_bounds = array<i64: 1, 256>}, {pipeline_mode = #tpu.pipeline_mode<synchronous>, transform_indices = @transform_5, window_bounds = array<i64: 256, 256>}, {pipeline_mode = #tpu.pipeline_mode<synchronous>, transform_indices = @transform_6, window_bounds = array<i64: 1, 256>}, {pipeline_mode = #tpu.pipeline_mode<synchronous>, transform_indices = @transform_7, window_bounds = array<i64: 1, 256>}, {pipeline_mode = #tpu.pipeline_mode<synchronous>, transform_indices = @transform_8, window_bounds = array<i64: 1, 256>}, {transform_indices = @transform_9, window_bounds = array<i64: 2000, 256>}]} {
    %get3A = arith.constant 0 : index
    %get3A_0 = arith.constant 0 : index
    %get3A_1 = vector.load %arg2[%get3A, %get3A_0] : memref<2000x128xf32, #tpu.memory_space<vmem>>, vector<2000x128xf32>
    %get3A_2 = arith.constant 0 : index
    %get3A_3 = arith.constant 0 : index
    %get3A_4 = vector.load %arg3[%get3A_2, %get3A_3] : memref<2000x128xf32, #tpu.memory_space<vmem>>, vector<2000x128xf32>
    %concatenate3A = tpu.concatenate %get3A_1, %get3A_4 in 1 : vector<2000x128xf32>, vector<2000x128xf32> -> vector<2000x256xf32>
    %mul3A = arith.mulf %concatenate3A, %concatenate3A : vector<2000x256xf32>
    %reduce_sum3A = arith.constant dense<0.000000e+00> : vector<2000xf32>
    %reduce_sum3A_5 = vector.multi_reduction <add>, %mul3A, %reduce_sum3A [1] : vector<2000x256xf32> to vector<2000xf32>
    %broadcast_in_dim3A = vector.shape_cast %reduce_sum3A_5 : vector<2000xf32> to vector<2000x1xf32>
    %sqrt3A = math.sqrt %broadcast_in_dim3A : vector<2000x1xf32>
    %add3A = arith.constant 9.99999993E-9 : f32
    %add3A_6 = vector.broadcast %add3A : f32 to vector<2000x1xf32>
    %add3A_7 = arith.addf %sqrt3A, %add3A_6 : vector<2000x1xf32>
    %div3A = vector.broadcast %add3A_7 : vector<2000x1xf32> to vector<2000x256xf32>
    %div3A_8 = arith.divf %concatenate3A, %div3A : vector<2000x256xf32>
    %get3A_9 = arith.constant 0 : index
    %get3A_10 = arith.constant 0 : index
    %get3A_11 = vector.load %arg1[%get3A_9, %get3A_10] : memref<2000x256xf32, #tpu.memory_space<vmem>>, vector<2000x256xf32>
    %add3A_12 = arith.addf %get3A_11, %div3A_8 : vector<2000x256xf32>
    %get3A_13 = arith.constant 0 : index
    %get3A_14 = arith.constant 0 : index
    %get3A_15 = vector.load %arg4[%get3A_13, %get3A_14] : memref<256x256xf32, #tpu.memory_space<vmem>>, vector<256x256xf32>
    %dot_general3A = arith.constant dense<0.000000e+00> : vector<2000x256xf32>
    %dot_general3A_16 = tpu.matmul %add3A_12, %get3A_15, %dot_general3A {dimension_numbers = #tpu.dot_dimension_numbers<[1], [0], [0], [1], [0, 0, 1, 1], [], []>, transpose_lhs_hint = false} : vector<2000x256xf32>, vector<256x256xf32>, vector<2000x256xf32> -> vector<2000x256xf32>
    %get3A_17 = arith.constant 0 : index
    %get3A_18 = arith.constant 0 : index
    %get3A_19 = vector.load %arg5[%get3A_17, %get3A_18] : memref<1x256xf32, #tpu.memory_space<vmem>>, vector<1x256xf32>
    %add3A_20 = vector.broadcast %get3A_19 : vector<1x256xf32> to vector<2000x256xf32>
    %add3A_21 = arith.addf %dot_general3A_16, %add3A_20 : vector<2000x256xf32>
    %max3A = arith.constant 0.000000e+00 : f32
    %max3A_22 = vector.broadcast %max3A : f32 to vector<2000x256xf32>
    %max3A_23 = arith.maximumf %add3A_21, %max3A_22 : vector<2000x256xf32>
    %get3A_24 = arith.constant 0 : index
    %get3A_25 = arith.constant 0 : index
    %get3A_26 = vector.load %arg6[%get3A_24, %get3A_25] : memref<256x256xf32, #tpu.memory_space<vmem>>, vector<256x256xf32>
    %dot_general3A_27 = arith.constant dense<0.000000e+00> : vector<2000x256xf32>
    %dot_general3A_28 = tpu.matmul %max3A_23, %get3A_26, %dot_general3A_27 {dimension_numbers = #tpu.dot_dimension_numbers<[1], [0], [0], [1], [0, 0, 1, 1], [], []>, transpose_lhs_hint = false} : vector<2000x256xf32>, vector<256x256xf32>, vector<2000x256xf32> -> vector<2000x256xf32>
    %get3A_29 = arith.constant 0 : index
    %get3A_30 = arith.constant 0 : index
    %get3A_31 = vector.load %arg7[%get3A_29, %get3A_30] : memref<1x256xf32, #tpu.memory_space<vmem>>, vector<1x256xf32>
    %add3A_32 = vector.broadcast %get3A_31 : vector<1x256xf32> to vector<2000x256xf32>
    %add3A_33 = arith.addf %dot_general3A_28, %add3A_32 : vector<2000x256xf32>
    %reduce_sum3A_34 = arith.constant dense<0.000000e+00> : vector<2000xf32>
    %reduce_sum3A_35 = vector.multi_reduction <add>, %add3A_33, %reduce_sum3A_34 [1] : vector<2000x256xf32> to vector<2000xf32>
    %broadcast_in_dim3A_36 = vector.shape_cast %reduce_sum3A_35 : vector<2000xf32> to vector<2000x1xf32>
    %div3A_37 = arith.constant 2.560000e+02 : f32
    %div3A_38 = vector.broadcast %div3A_37 : f32 to vector<2000x1xf32>
    %div3A_39 = arith.divf %broadcast_in_dim3A_36, %div3A_38 : vector<2000x1xf32>
    %sub3A = vector.broadcast %div3A_39 : vector<2000x1xf32> to vector<2000x256xf32>
    %sub3A_40 = arith.subf %add3A_33, %sub3A : vector<2000x256xf32>
    %sub3A_41 = vector.broadcast %div3A_39 : vector<2000x1xf32> to vector<2000x256xf32>
    %sub3A_42 = arith.subf %add3A_33, %sub3A_41 : vector<2000x256xf32>
    %mul3A_43 = arith.mulf %sub3A_40, %sub3A_42 : vector<2000x256xf32>
    %reduce_sum3A_44 = arith.constant dense<0.000000e+00> : vector<2000xf32>
    %reduce_sum3A_45 = vector.multi_reduction <add>, %mul3A_43, %reduce_sum3A_44 [1] : vector<2000x256xf32> to vector<2000xf32>
    %broadcast_in_dim3A_46 = vector.shape_cast %reduce_sum3A_45 : vector<2000xf32> to vector<2000x1xf32>
    %div3A_47 = arith.constant 2.560000e+02 : f32
    %div3A_48 = vector.broadcast %div3A_47 : f32 to vector<2000x1xf32>
    %div3A_49 = arith.divf %broadcast_in_dim3A_46, %div3A_48 : vector<2000x1xf32>
    %sub3A_50 = vector.broadcast %div3A_39 : vector<2000x1xf32> to vector<2000x256xf32>
    %sub3A_51 = arith.subf %add3A_33, %sub3A_50 : vector<2000x256xf32>
    %add3A_52 = arith.constant 9.99999974E-6 : f32
    %add3A_53 = vector.broadcast %add3A_52 : f32 to vector<2000x1xf32>
    %add3A_54 = arith.addf %div3A_49, %add3A_53 : vector<2000x1xf32>
    %sqrt3A_55 = math.sqrt %add3A_54 : vector<2000x1xf32>
    %div3A_56 = vector.broadcast %sqrt3A_55 : vector<2000x1xf32> to vector<2000x256xf32>
    %div3A_57 = arith.divf %sub3A_51, %div3A_56 : vector<2000x256xf32>
    %get3A_58 = arith.constant 0 : index
    %get3A_59 = arith.constant 0 : index
    %get3A_60 = vector.load %arg8[%get3A_58, %get3A_59] : memref<1x256xf32, #tpu.memory_space<vmem>>, vector<1x256xf32>
    %mul3A_61 = vector.broadcast %get3A_60 : vector<1x256xf32> to vector<2000x256xf32>
    %mul3A_62 = arith.mulf %div3A_57, %mul3A_61 : vector<2000x256xf32>
    %get3A_63 = arith.constant 0 : index
    %get3A_64 = arith.constant 0 : index
    %get3A_65 = vector.load %arg9[%get3A_63, %get3A_64] : memref<1x256xf32, #tpu.memory_space<vmem>>, vector<1x256xf32>
    %add3A_66 = vector.broadcast %get3A_65 : vector<1x256xf32> to vector<2000x256xf32>
    %add3A_67 = arith.addf %mul3A_62, %add3A_66 : vector<2000x256xf32>
    %swap3A = arith.constant 0 : index
    %swap3A_68 = arith.constant 0 : index
    %swap3A_69 = vector.load %arg10[%swap3A, %swap3A_68] : memref<2000x256xf32, #tpu.memory_space<vmem>>, vector<2000x256xf32>
    tpu.vector_store %arg10[%swap3A, %swap3A_68], %add3A_67 {strides = array<i32>} : memref<2000x256xf32, #tpu.memory_space<vmem>>, vector<2000x256xf32>,
    return
  }
  func.func @transform_0(%arg0: i32) -> (i32, i32) {
    %c0_i32 = arith.constant 0 : i32
    %c0_i32_0 = arith.constant 0 : i32
    return %arg0, %c0_i32 : i32, i32
  }
  func.func @transform_1(%arg0: i32) -> (i32, i32) {
    %c0_i32 = arith.constant 0 : i32
    %c0_i32_0 = arith.constant 0 : i32
    return %arg0, %c0_i32 : i32, i32
  }
  func.func @transform_2(%arg0: i32) -> (i32, i32) {
    %c0_i32 = arith.constant 0 : i32
    %c0_i32_0 = arith.constant 0 : i32
    return %arg0, %c0_i32 : i32, i32
  }
  func.func @transform_3(%arg0: i32) -> (i32, i32) {
    %c0_i32 = arith.constant 0 : i32
    %c0_i32_0 = arith.constant 0 : i32
    %c0_i32_1 = arith.constant 0 : i32
    return %c0_i32, %c0_i32_0 : i32, i32
  }
  func.func @transform_4(%arg0: i32) -> (i32, i32) {
    %c0_i32 = arith.constant 0 : i32
    %c0_i32_0 = arith.constant 0 : i32
    %c0_i32_1 = arith.constant 0 : i32
    return %c0_i32, %c0_i32_0 : i32, i32
  }
  func.func @transform_5(%arg0: i32) -> (i32, i32) {
    %c0_i32 = arith.constant 0 : i32
    %c0_i32_0 = arith.constant 0 : i32
    %c0_i32_1 = arith.constant 0 : i32
    return %c0_i32, %c0_i32_0 : i32, i32
  }
  func.func @transform_6(%arg0: i32) -> (i32, i32) {
    %c0_i32 = arith.constant 0 : i32
    %c0_i32_0 = arith.constant 0 : i32
    %c0_i32_1 = arith.constant 0 : i32
    return %c0_i32, %c0_i32_0 : i32, i32
  }
  func.func @transform_7(%arg0: i32) -> (i32, i32) {
    %c0_i32 = arith.constant 0 : i32
    %c0_i32_0 = arith.constant 0 : i32
    %c0_i32_1 = arith.constant 0 : i32
    return %c0_i32, %c0_i32_0 : i32, i32
  }
  func.func @transform_8(%arg0: i32) -> (i32, i32) {
    %c0_i32 = arith.constant 0 : i32
    %c0_i32_0 = arith.constant 0 : i32
    %c0_i32_1 = arith.constant 0 : i32
    return %c0_i32, %c0_i32_0 : i32, i32
  }
  func.func @transform_9(%arg0: i32) -> (i32, i32) {
    %c0_i32 = arith.constant 0 : i32
    %c0_i32_0 = arith.constant 0 : i32
    return %arg0, %c0_i32 : i32, i32
  }
}

</mosaic_0001>

<sc_bundles>
// kernel: kernel.4.cloned.1.call-start
scs
__scs_entry_jumppad:
0x0: {  	(pc) =	sbr.rel $0x88, $3  }
0x1: {  	(tag) =	ssettag $0x0;
	lr =	simm.s32 $0x1  }
0x2: {  	[smem:$0x3F99] =	sst lr;
	_ =	strace $0xD0000000  }
0x3: {  	_ = 	snop  }
0x4: {  	_ = 	snop  }
0x5: {  	_ = 	snop  }
0x6: {  	_ = 	snop  }
0x7: {  	_ = 	snop  }
__scs_overlays_trampoline_lowered:
0x8: {  	[smem:$0x3FA8] =	sst s0  }
0x9: {  	[smem:$0x3FA9] =	sst s1  }
0xa: {  	[smem:$0x3FAA] =	sst s2  }
0xb: {  	[smem:$0x3FAB] =	sst s3  }
0xc: {  	[smem:$0x3FAC] =	sst s4  }
0xd: {  	[smem:$0x3FAD] =	sst s5  }
0xe: {  	[smem:$0x3FAE] =	sst s6  }
0xf: {  	[smem:$0x3FAF] =	sst s7  }
0x10: {  	[smem:$0x3FB0] =	sst s8  }
0x11: {  	[smem:$0x3FB1] =	sst s9;
	s0 =	simm.s32 @!p0 $0x0  }
0x12: {  	s1 =	sld [smem:$0x3F97];
	s0 =	simm.s32 @p0 $0x1  }
0x13: {  	[smem:$0x3FB2] =	sst s0;
	s0 =	simm.s32 @!p1 $0x0  }
0x14: {  	s2 =	sld [smem:$0x3F96];
	s0 =	simm.s32 @p1 $0x1  }
0x15: {  	[smem:$0x3FB3] =	sst s0;
	s0 =	simm.s32 @!p2 $0x0  }
0x16: {  	s3 =	sld [smem:$0x3FDB];
	s0 =	simm.s32 @p2 $0x1  }
0x17: {  	s4 =	simm.s32 $0x1BF5;
	[smem:$0x3FB5] =	sst s0  }
0x18: {  	s0 =	sld [smem:$0x3F98];
	_ =	swait.ge [sflag:s4], $0x0  }
0x19: {  	s7 =	sld [smem:$0x3F99]  }
0x1a: {  	s8 =	sadd.s32 $0xFFFFE003, lr  }
0x1b: {  	s9 =	sadd.s32 $0xFFFFFEF7, lr;
	s5 =	simm.s32 $0xFFFFFFFF;
	p2 =	slt.u32 s8, $0xFFFFF086  }
0x1c: {  	p1 =	slt.u32 s9, $0xF7A;
	s5 =	simm.s32 @!p2 $0x0  }
0x1d: {  	s5 =	simm.s32 @p1 $0x1;
	p0 =	seq.s32 s7, s2  }
0x1e: {  	s7 =	smul.u32 @!p0 $0xF7A, s2;
	p2 =	seq.s32 @!p0 s5, $0x0  }
0x1f: {  	s9 =	smul.u32 $0xF7A, s1;
	s8 =	simm.s32 @!p0 $0x1BF5;
	p2 =	por !p2, p0  }
0x20: {  	[sflag:s8] =	ssyncset.s32 @!p0 $0xFFFFF086;
	s6 =	sadd.s32 @!p0 s3, s7;
	s7 =	simm.s32 @!p0 $0x108  }
0x21: {  	s3 =	sadd.s32 s3, s9;
	s6 =	sadd.s32 @!p0 $0x88, s6;
	s7 =	simm.s32 @p2 $0x1082  }
0x22: {  	[simem:s7], [sflag:s8] =	dma.local @!p0 [hbm:s6], $0xF7A  }
0x23: {  	s9 =	sor.u32 $0xD0000000, s2;
	s6 =	simm.s32 $0x108;
	_ =	swait.ge @!p0 [sflag:s8], $0x0  }
0x24: {  	s3 =	sadd.s32 $0x88, s3;
	s6 =	simm.s32 @!p1 $0x1082;
	[sflag:s4] =	ssyncset.s32 $0xFFFFF086  }
0x25: {  	[simem:s6], [sflag:s4] =	dma.local [hbm:s3], $0xF7A  }
0x26: {  	[smem:$0x3F99] =	sst s1;
	(tag) =	ssettag s2;
	_ =	strace s9  }
0x27: {  	s1 =	sld [smem:$0x3FA9]  }
0x28: {  	s2 =	sld [smem:$0x3FAA]  }
0x29: {  	s4 =	sld [smem:$0x3FAC]  }
0x2a: {  	p0 =	seq.s32 s5, $0x0;
	s5 =	sld [smem:$0x3FAD]  }
0x2b: {  	s6 =	sld [smem:$0x3FAE]  }
0x2c: {  	s7 =	sld [smem:$0x3FAF]  }
0x2d: {  	s3 =	simm.s32 $0x108;
	s8 =	sld [smem:$0x3FB0]  }
0x2e: {  	s3 =	simm.s32 @!p0 $0x1082;
	s9 =	sld [smem:$0x3FB1]  }
0x2f: {  	lr =	sadd.s32 s0, s3;
	s0 =	sld [smem:$0x3FA8]  }
0x30: {  	s3 =	sld [smem:$0x3FAB]  }
0x31: {  	[smem:$0x3FB4] =	sst s10  }
0x32: {  	s10 =	sld [smem:$0x3FB2];
	_ =	sdelay $0x3  }
0x33: {  	p0 =	seq.s32 s10, $0x1;
	s10 =	sld [smem:$0x3FB4];
	_ =	sdelay $0x3  }
0x34: {  	[smem:$0x3FB4] =	sst s10  }
0x35: {  	s10 =	sld [smem:$0x3FB3];
	_ =	sdelay $0x3  }
0x36: {  	p1 =	seq.s32 s10, $0x1;
	s10 =	sld [smem:$0x3FB4];
	_ =	sdelay $0x3  }
0x37: {  	[smem:$0x3FB4] =	sst s10  }
0x38: {  	s10 =	sld [smem:$0x3FB5]  }
0x39: {  	_ = 	snop;
	(pc) =	sbr.ind lr, $3  }
0x3a: {  	_ = 	snop  }
0x3b: {  	_ = 	snop  }
0x3c: {  	p2 =	seq.s32 s10, $0x1;
	s10 =	sld [smem:$0x3FB4]  }
0x3d: {  	_ =	shalt  }
0x3e: {  	_ =	shalt  }
0x3f: {  	_ =	shalt  }
0x40: {  	_ =	shalt  }
0x41: {  	_ =	shalt  }
0x42: {  	_ =	shalt  }
0x43: {  	_ =	shalt  }
0x44: {  	_ =	shalt  }
0x45: {  	_ =	shalt  }
0x46: {  	_ =	shalt  }
0x47: {  	_ =	shalt  }
0x48: {  	_ =	shalt  }
0x49: {  	_ =	shalt  }
0x4a: {  	_ =	shalt  }
0x4b: {  	_ =	shalt  }
0x4c: {  	_ =	shalt  }
0x4d: {  	_ =	shalt  }
0x4e: {  	_ =	shalt  }
0x4f: {  	_ =	shalt  }
0x50: {  	_ =	shalt  }
0x51: {  	_ =	shalt  }
0x52: {  	_ =	shalt  }
0x53: {  	_ =	shalt  }
0x54: {  	_ =	shalt  }
0x55: {  	_ =	shalt  }
0x56: {  	_ =	shalt  }
0x57: {  	_ =	shalt  }
0x58: {  	_ =	shalt  }
0x59: {  	_ =	shalt  }
0x5a: {  	_ =	shalt  }
0x5b: {  	_ =	shalt  }
0x5c: {  	_ =	shalt  }
0x5d: {  	_ =	shalt  }
0x5e: {  	_ =	shalt  }
0x5f: {  	_ =	shalt  }
0x60: {  	_ =	shalt  }
0x61: {  	_ =	shalt  }
0x62: {  	_ =	shalt  }
0x63: {  	_ =	shalt  }
0x64: {  	_ =	shalt  }
0x65: {  	_ =	shalt  }
0x66: {  	_ =	shalt  }
0x67: {  	_ =	shalt  }
0x68: {  	_ =	shalt  }
0x69: {  	_ =	shalt  }
0x6a: {  	_ =	shalt  }
0x6b: {  	_ =	shalt  }
0x6c: {  	_ =	shalt  }
0x6d: {  	_ =	shalt  }
0x6e: {  	_ =	shalt  }
0x6f: {  	_ =	shalt  }
0x70: {  	_ =	shalt  }
0x71: {  	_ =	shalt  }
0x72: {  	_ =	shalt  }
0x73: {  	_ =	shalt  }
0x74: {  	_ =	shalt  }
0x75: {  	_ =	shalt  }
0x76: {  	_ =	shalt  }
0x77: {  	_ =	shalt  }
0x78: {  	_ =	shalt  }
0x79: {  	_ =	shalt  }
0x7a: {  	_ =	shalt  }
0x7b: {  	_ =	shalt  }
0x7c: {  	_ =	shalt  }
0x7d: {  	_ =	shalt  }
0x7e: {  	_ =	shalt  }
0x7f: {  	_ =	shalt  }
0x80: {  	_ =	shalt  }
0x81: {  	_ =	shalt  }
0x82: {  	_ =	shalt  }
0x83: {  	_ =	shalt  }
0x84: {  	_ =	shalt  }
0x85: {  	_ =	shalt  }
0x86: {  	_ =	shalt  }
0x87: {  	_ =	shalt  }
.Lfunc_end0:
.L_simem_size_0:
called_computation_lowered:
.L_overlay_start_0:
0x88: {  	s2 =	sld [smem:$0x3FD9]  }
0x89: {  	s3 =	sld [smem:$0x3FFE];
	_ =	sdelay $0x1  }
0x8a: {  	s1 =	srdreg.scid  }
0x8b: {  	s0 =	sand.u32 $0x1, s1  }
0x8c: {  	s17 =	sshll.u32 s0, $0xA;
	s2 =	sadd.s32 s3, s2  }
0x8d: {  	s2 =	sadd.s32 s2, s17  }
0x8e: {  	[smem:$0x3FC0] =	sst s2  }
0x8f: {  	_ = 	snop  }
0x90: {  	s2 =	sld [smem:$0x3FD0];
	(tm) =	ssettm $0x1  }
0x91: {  	s18 =	sld [smem:$0x3FFB];
	_ =	sdelay $0x3  }
0x92: {  	_ =	strace s18  }
0x93: {  	s3 =	sld [smem:$0x3FFC];
	_ =	sdelay $0x3  }
0x94: {  	_ =	strace s3  }
0x95: {  	s3 =	sld [smem:$0x3FFD];
	_ =	sdelay $0x3  }
0x96: {  	_ =	strace s3  }
0x97: {  	_ =	strace $0x8FFFFFFF  }
0x98: {  	s19 =	sld [smem:$0x3FDB];
	_ =	sdelay $0x1  }
0x99: {  	s4 =	simm.s32 $_scs_section_size  }
0x9a: {  	s5 =	simm.s32 $_size__tile_overlayer_lowered;
	s6 =	simm.s32 $_tile_overlayer_lowered  }
0x9b: {  	s22 =	simm.s32 $0x1BFF;
	s21 =	sshll.u32 s6, $0x1;
	s3 =	sadd.s32 s4, s19  }
0x9c: {  	s7 =	simm.s32 $0x0;
	s20 =	sshll.u32 s5, $0x1;
	s5 =	sadd.s32 s21, s3  }
0x9d: {  	[timem:s7], [sflag:s22] =	dma.local [hbm:s5], s20  }
0x9e: {  	_ =	swait.ge [sflag:s22], s20  }
0x9f: {  	s4 =	ssub.s32 $0x0, s20;
	[sflag:s22] =	ssyncset.done $0x0  }
0xa0: {  	[sflag:s22] =	ssyncadd.s32 s4;
	_ =	sdelay $0x1  }
0xa1: {  	s23 =	simm.s32 $0x1B8B  }
0xa2: {  	_ =	swait.ge [sflag:s23], $0x1  }
0xa3: {  	[sflag:s23] =	ssyncset.done $0x0  }
0xa4: {  	s25 =	simm.s32 $0x1B8E;
	s24 =	sld [smem:$0x3FFE];
	[sflag:s23] =	ssyncadd.s32 $0xFFFFFFFF  }
0xa5: {  	s26 =	simm.s32 $execute0_lowered;
	[smem:$0x3FD2] =	sst s25  }
0xa6: {  	s5 =	sshll.u32 s26, $0x1;
	_ =	strace $0x80000046;
	[dreg:$0x1] =	wrdreg $0xFFFFFFFF  }
0xa7: {  	s28 =	simm.s32 $_size_execute0_lowered;
	s3 =	sadd.s32 s3, s5;
	[dreg:$0x0] =	wrdreg $0x0  }
0xa8: {  	s5 =	sshll.u32 s28, $0x1;
	[dreg:$0x2] =	wrdreg s3  }
0xa9: {  	[dreg:$0x3] =	wrdreg s5  }
0xaa: {  	[dreg:$0x4] =	wrdreg $0xC0  }
0xab: {  	_ =	task [dreg:s7], $0x5FFFF  }
0xac: {  	[dreg:$0x1] =	wrdreg $0xFFFFFFFF  }
0xad: {  	[dreg:$0x0] =	wrdreg $0x60  }
0xae: {  	[dreg:$0x2] =	wrdreg s2  }
0xaf: {  	[dreg:$0x3] =	wrdreg s24  }
0xb0: {  	[dreg:$0x4] =	wrdreg $0x0  }
0xb1: {  	[dreg:$0x5] =	wrdreg $0x9  }
0xb2: {  	_ =	task.clear_ibuf [dreg:s7], $0x6FFFF;
	_ =	strace $0x90000046  }
0xb3: {  	s29 =	simm.s32 $0x9;
	_ =	strace $0x80000048  }
0xb4: {  	_ =	swait.ge [sflag:s29], $0x1  }
0xb5: {  	[sflag:s29] =	ssyncadd.s32 $0xFFFFFFFF  }
0xb6: {  	_ =	strace $0x90000048  }
0xb7: {  	_ =	sfence  }
0xb8: {  	s30 =	sld [smem:$0x0];
	_ =	sdelay $0x2  }
0xb9: {  	s31 =	sshll.u32 s1, $0xD;
	s1 =	sshrl.u32 s1, $0x2  }
0xba: {  	s3 =	sand.u32 $0x4000, s31;
	s1 =	sadd.s32 s1, s30  }
0xbb: {  	s0 =	sor.u32 s3, s0;
	s1 =	sshll.u32 s1, $0x11  }
0xbc: {  	s0 =	sor.u32 s1, s0  }
0xbd: {  	s0 =	sadd.s32 $0x8F2B, s0  }
0xbe: {  	[sflag:s0] =	ssyncadd.remote.s32 $0x1  }
0xbf: {  	_ =	sfence.sel $0xFFFF  }
0xc0: {  	[dreg:$0x0] =	wrdreg $0xFFFFFFFF;
	(pc) =	sbr.abs _section_cstart, $3  }
0xc1: {  	[dreg:$0x1] =	wrdreg $0xFFFFFFFF  }
0xc2: {  	_ =	task.clear_ibuf [dreg:s7], $0x2FFFF;
	_ =	strace $0x9FFFFFFF  }
0xc3: {  	(tm) =	ssettm $0x7FFFFFFF  }
tec
execute0_lowered:
.L_overlay_start_1:
0x0: {  	(tag) =	ssettag $0x1  }
0x1: {  	s1 =	rddreg [dreg:$0x0]  }
0x2: {  	s8 =	rddreg [dreg:$0x1]  }
0x3: {  	s2 =	rddreg [dreg:$0x2];
	s3 =	srdreg.scid  }
0x4: {  	s4 =	simm.s32 $0x0;
	s16 =	simm.s32 $0x15000;
	s17 =	simm.s32 $0x80  }
0x5: {  	s18 =	simm.s32 $0x16400;
	s19 =	simm.s32 $0x13C80;
	s20 =	simm.s32 $0x1A400  }
0x6: {  	s21 =	simm.s32 $0x1;
	s22 =	simm.s32 $0x2;
	s23 =	simm.s32 $0x13D00  }
0x7: {  	s24 =	simm.s32 $0x15080;
	s28 =	simm.s32 $0x16380;
	s29 =	simm.s32 $0x0  }
0x8: {  	s9 =	sand.u32 $0x1, s3;
	s3 =	stileid.u32;
	[smem:$0x7FF] =	sst s4  }
0x9: {  	s5 =	sadd.s32 $0x1C00, s8;
	s6 =	sadd.s32 $0xBC00, s8;
	s10 =	smul.u32 $0x13C000, s9  }
0xa: {  	s7 =	sadd.s32 $0x10C00, s8;
	s11 =	smul.u32 $0x13C00, s3;
	_ =	strace $0x80000047  }
0xb: {  	s25 =	smul.u32 $0x4F000, s3;
	s12 =	ssub.s32 $0x2, s9;
	s31 =	sshll.u32 s3, $0x6  }
0xc: {  	s13 =	smul.u32 $0x28000, s9;
	s26 =	sshrl.u32 s12, $0x1;
	s9 =	sor.u32 $0x1C03, s31  }
0xd: {  	s10 =	sadd.s32 s11, s10;
	s12 =	ssub.s32 s12, s26;
	s30 =	sshrl.u32 s25, $0x2  }
0xe: {  	s25 =	simm.s32 $0x14F80;
	s26 =	simm.s32 $0x16300;
	s10 =	sshrl.u32 s10, $0x3  }
0xf: {  	s15 =	sadd.s32 s30, s2;
	s14 =	sadd.s32 s10, s8;
	s8 =	smul.u32 $0x2800, s3  }
0x10: {  	s12 =	smax.u32 s12, $0x1;
	s11 =	sadd.s32 $0x13400, s14;
	s14 =	simm.s32 $0x3  }
0x11: {  	s10 =	sadd.s32 s13, s8;
	s13 =	sshrl.u32 s15, $0x3;
	s15 =	simm.s32 $0x13C00  }
.LBB2_1:
0x12: {  	[spmem:s13], [sflag:s9] =	dma.local [hbm:s7], $0x2780  }
0x13: {  	_ =	swait.ge [sflag:s14], $0x2780  }
0x14: {  	[sflag:s14] =	ssyncset.done $0x0  }
0x15: {  	[sflag:s14] =	ssyncadd.s32 $0xFFFFD880  }
0x16: {  	p1 =	por $0x1, $0x1;
	s30 =	simm.s32 $0x0;
	[bflag:$0x0] =	sbarrier.arrive $0xFFFF  }
.LBB2_2:
0x17: {  	s31 =	sadd.s32 s10, s30  }
0x18: {  	s31 =	sshrl.u32 s31, $0x3  }
0x19: {  	s31 =	sadd.s32 s5, s31  }
0x1a: {  	[tilespmem:s15], [sflag:$0x3] =	stream.linear.gather [hbm4b:s31+s4], $0x1400, $0x38;
	[tilespmem:$0x1E400] =	vst v63  }
0x1b: {  	s30 =	sadd.s32 s8, s30;
	_ =	swait.ge [sflag:s14], $0x1400  }
0x1c: {  	s30 =	sshrl.u32 s30, $0x3;
	[sflag:s14] =	ssyncset.done $0x0  }
0x1d: {  	s30 =	sadd.s32 s6, s30;
	[sflag:s14] =	ssyncadd.s32 $0xFFFFEC00  }
0x1e: {  	[tilespmem:s16], [sflag:$0x3] =	stream.linear.gather [hbm4b:s30+s4], $0x1400, $0x38;
	[tilespmem:$0x1E400] =	vst v63  }
0x1f: {  	_ =	swait.ge [sflag:s14], $0x1400  }
0x20: {  	[sflag:s14] =	ssyncset.done $0x0  }
0x21: {  	[sflag:s14] =	ssyncadd.s32 $0xFFFFEC00  }
0x22: {  	[tilespmem:s18], [sflag:$0x1] =	stream.indirect.gather [hbm4b:s1+s17], $0x80, s15, s17, $0xb8;
	[tilespmem:$0x1E400] =	vst v63  }
0x23: {  	_ = 	snop  }
0x24: {  	[tilespmem:s20], [sflag:$0x1] =	stream.indirect.gather [hbm4b:s1+s17], $0x80, s19, s17, $0xb8;
	[tilespmem:$0x1E400] =	vst v63  }
0x25: {  	_ =	swait.ge [sflag:s21], $0x4000  }
0x26: {  	[sflag:s21] =	ssyncset.done $0x0  }
0x27: {  	[sflag:s21] =	ssyncadd.s32 $0xFFFFC000  }
0x28: {  	[spmem:s2] =	stream.indirect.scatter.add.f32 [tilespmem:s18], [sflag:$0x2], $0x80, s16, s17, $0xb8;
	[tilespmem:$0x1E400] =	vst v63  }
0x29: {  	_ =	swait.ge [sflag:s22], $0x4000  }
0x2a: {  	[sflag:s22] =	ssyncset.done $0x0  }
0x2b: {  	[sflag:s22] =	ssyncadd.s32 $0xFFFFC000  }
0x2c: {  	[tilespmem:s18], [sflag:$0x1] =	stream.indirect.gather [hbm4b:s1+s17], $0x80, s23, s17, $0xb8;
	[tilespmem:$0x1E400] =	vst v63  }
0x2d: {  	_ =	swait.ge [sflag:s21], $0x4000  }
0x2e: {  	[sflag:s21] =	ssyncset.done $0x0  }
0x2f: {  	[sflag:s21] =	ssyncadd.s32 $0xFFFFC000  }
0x30: {  	[spmem:s2] =	stream.indirect.scatter.add.f32 [tilespmem:s20], [sflag:$0x2], $0x80, s24, s17, $0xb8;
	[tilespmem:$0x1E400] =	vst v63  }
0x31: {  	_ =	swait.ge [sflag:s22], $0x4000  }
0x32: {  	[sflag:s22] =	ssyncset.done $0x0  }
0x33: {  	s30 =	simm.s32 $0x13D80;
	[sflag:s22] =	ssyncadd.s32 $0xFFFFC000  }
0x34: {  	[tilespmem:s20], [sflag:$0x1] =	stream.indirect.gather [hbm4b:s1+s17], $0x80, s30, s17, $0xb8;
	[tilespmem:$0x1E400] =	vst v63  }
0x35: {  	_ =	swait.ge [sflag:s21], $0x4000  }
0x36: {  	[sflag:s21] =	ssyncset.done $0x0  }
0x37: {  	s30 =	simm.s32 $0x15100;
	[sflag:s21] =	ssyncadd.s32 $0xFFFFC000  }
0x38: {  	[spmem:s2] =	stream.indirect.scatter.add.f32 [tilespmem:s18], [sflag:$0x2], $0x80, s30, s17, $0xb8;
	[tilespmem:$0x1E400] =	vst v63  }
0x39: {  	_ =	swait.ge [sflag:s22], $0x4000  }
0x3a: {  	[sflag:s22] =	ssyncset.done $0x0  }
0x3b: {  	s30 =	simm.s32 $0x13E00;
	[sflag:s22] =	ssyncadd.s32 $0xFFFFC000  }
0x3c: {  	[tilespmem:s18], [sflag:$0x1] =	stream.indirect.gather [hbm4b:s1+s17], $0x80, s30, s17, $0xb8;
	[tilespmem:$0x1E400] =	vst v63  }
0x3d: {  	_ =	swait.ge [sflag:s21], $0x4000  }
0x3e: {  	p0 =	por p1, p1;
	[sflag:s21] =	ssyncset.done $0x0  }
0x3f: {  	s31 =	simm.s32 $0x15180;
	s30 =	simm.s32 $0xFFFFBC00;
	[sflag:s21] =	ssyncadd.s32 $0xFFFFC000  }
.LBB2_3:
0x40: {  	[spmem:s2] =	stream.indirect.scatter.add.f32 [tilespmem:s20], [sflag:$0x2], $0x80, s31, s17, $0xb8;
	[tilespmem:$0x1E400] =	vst v63  }
0x41: {  	s31 =	smov.u32 s30  }
0x42: {  	p1 =	sne.s32 s30, $0xFFFFFC00;
	s30 =	sadd.s32 $0x400, s30;
	_ =	swait.ge [sflag:s22], $0x4000  }
0x43: {  	s31 =	sshra.s32 s31, $0x2;
	[sflag:s22] =	ssyncset.done $0x0  }
0x44: {  	s0 =	sadd.s32 $0x14F80, s31;
	[sflag:s22] =	ssyncadd.s32 $0xFFFFC000  }
0x45: {  	[tilespmem:s20], [sflag:$0x1] =	stream.indirect.gather [hbm4b:s1+s17], $0x80, s0, s17, $0xb8;
	[tilespmem:$0x1E400] =	vst v63  }
0x46: {  	_ =	swait.ge [sflag:s21], $0x4000  }
0x47: {  	[sflag:s21] =	ssyncset.done $0x0  }
0x48: {  	s0 =	sadd.s32 $0x16300, s31;
	[sflag:s21] =	ssyncadd.s32 $0xFFFFC000  }
0x49: {  	[spmem:s2] =	stream.indirect.scatter.add.f32 [tilespmem:s18], [sflag:$0x2], $0x80, s0, s17, $0xb8;
	[tilespmem:$0x1E400] =	vst v63  }
0x4a: {  	_ =	swait.ge [sflag:s22], $0x4000  }
0x4b: {  	[sflag:s22] =	ssyncset.done $0x0  }
.Ltmp0:
0x4c: {  	s0 =	sadd.s32 $0x15000, s31;
	[sflag:s22] =	ssyncadd.s32 $0xFFFFC000;
	(pc) =	sbr.rel @p1 .LBB2_3-.Ltmp0, $4  }
0x4d: {  	[tilespmem:s18], [sflag:$0x1] =	stream.indirect.gather [hbm4b:s1+s17], $0x80, s0, s17, $0xb8;
	[tilespmem:$0x1E400] =	vst v63  }
0x4e: {  	_ =	swait.ge [sflag:s21], $0x4000  }
0x4f: {  	[sflag:s21] =	ssyncset.done $0x0  }
0x50: {  	s31 =	sadd.s32 $0x16380, s31;
	[sflag:s21] =	ssyncadd.s32 $0xFFFFC000  }
0x51: {  	[spmem:s2] =	stream.indirect.scatter.add.f32 [tilespmem:s20], [sflag:$0x2], $0x80, s31, s17, $0xb8;
	[tilespmem:$0x1E400] =	vst v63  }
0x52: {  	_ =	swait.ge [sflag:s22], $0x4000  }
0x53: {  	[sflag:s22] =	ssyncset.done $0x0  }
0x54: {  	[sflag:s22] =	ssyncadd.s32 $0xFFFFC000  }
0x55: {  	[tilespmem:s20], [sflag:$0x1] =	stream.indirect.gather [hbm4b:s1+s17], $0x80, s25, s17, $0xb8;
	[tilespmem:$0x1E400] =	vst v63  }
0x56: {  	_ =	swait.ge [sflag:s21], $0x4000  }
0x57: {  	[sflag:s21] =	ssyncset.done $0x0  }
0x58: {  	[sflag:s21] =	ssyncadd.s32 $0xFFFFC000  }
0x59: {  	[spmem:s2] =	stream.indirect.scatter.add.f32 [tilespmem:s18], [sflag:$0x2], $0x80, s26, s17, $0xb8;
	[tilespmem:$0x1E400] =	vst v63  }
0x5a: {  	_ =	swait.ge [sflag:s22], $0x4000  }
0x5b: {  	[sflag:s22] =	ssyncset.done $0x0  }
0x5c: {  	[sflag:s22] =	ssyncadd.s32 $0xFFFFC000  }
0x5d: {  	_ =	swait.ge [sflag:s21], $0x4000  }
0x5e: {  	[sflag:s21] =	ssyncset.done $0x0  }
.Ltmp1:
0x5f: {  	[sflag:s21] =	ssyncadd.s32 $0xFFFFC000;
	(pc) =	sbr.rel @p0 .LBB2_2-.Ltmp1, $4  }
0x60: {  	[spmem:s2] =	stream.indirect.scatter.add.f32 [tilespmem:s20], [sflag:$0x2], $0x80, s28, s17, $0xb8;
	[tilespmem:$0x1E400] =	vst v63  }
0x61: {  	_ =	swait.ge [sflag:s22], $0x4000  }
0x62: {  	[sflag:s22] =	ssyncset.done $0x0  }
0x63: {  	s30 =	simm.s32 $0x1400;
	p1 =	por $0x0, $0x0;
	[sflag:s22] =	ssyncadd.s32 $0xFFFFC000  }
0x64: {  	s29 =	sadd.s32 $0x1, s29  }
0x65: {  	p0 =	sne.s32 s29, s12  }
.Ltmp2:
0x66: {  	[bflag:$0x0] =	sbarrier.arrive $0xFFFF;
	(pc) =	sbr.rel @p0 .LBB2_1-.Ltmp2, $4  }
0x67: {  	[hbm:s11], [sflag:s9] =	dma.local [spmem:s13], $0x2780  }
0x68: {  	_ =	swait.ge [sflag:s14], $0x2780  }
0x69: {  	[sflag:s14] =	ssyncset.done $0x0  }
0x6a: {  	[sflag:s14] =	ssyncadd.s32 $0xFFFFD880  }
0x6b: {  	_ =	sfence.sel $0x180000  }
0x6c: {  	[bflag:$0x0] =	sbarrier.arrive $0xFFFF  }
0x6d: {  	_ =	strace $0x90000047  }
0x6e: {  	[bflag:$0x2] =	sbarrier.arrive $0xFFFF  }
0x6f: {  	p0 =	sne.s32 s3, $0x0;
	s0 =	rddreg [dreg:$0x3]  }
0x70: {  	s0 =	sadd.s32 @!p0 $0x100000, s0  }
0x71: {  	[sflag:s0] =	ssyncadd.tile.s32 @!p0 $0x1;
	_ =	shalt  }
.Lfunc_end2:
_tile_overlayer_lowered:
.L_overlay_start_2:
0x72: {  	(tag) =	ssettag $0x2  }
0x73: {  	s0 =	rddreg [dreg:$0x0];
	s2 =	stileid.u32  }
0x74: {  	s1 =	rddreg [dreg:$0x1];
	p0 =	sne.s32 s2, $0x0  }
0x75: {  	s3 =	rddreg [dreg:$0x2];
	[bflag:$0x3] =	sbarrier.arrive $0xFFFF;
	s2 =	simm.s32 @!p0 $0x1C03  }
0x76: {  	[timem:s3], [sflag:s2] =	dma.local @!p0 [hbm:s0], s1  }
0x77: {  	s0 =	simm.s32 @!p0 $0x3  }
0x78: {  	_ =	swait.ge @!p0 [sflag:s0], s1  }
0x79: {  	s1 =	ssub.s32 @!p0 $0x0, s1;
	[sflag:s0] =	ssyncset.done @!p0 $0x0  }
0x7a: {  	[sflag:s0] =	ssyncadd.s32 @!p0 s1  }
0x7b: {  	[bflag:$0x3] =	sbarrier.arrive $0xFFFF  }
0x7c: {  	_ =	shalt  }

</sc_bundles>
